<compile_context>
chip_gen: v7x
topology: tpu7x:2x2x1
jax: 0.10.2.dev20260603
libtpu: 0.0.44.dev20260713+nightly
codegen_flags: <defaults>
</compile_context>

<pallas_src>
import functools

import jax
import jax.numpy as jnp
from jax.experimental import pallas as pl
from jax.experimental.pallas import tpu as pltpu
from jax.experimental.pallas import tpu_sc as plsc

_TOP_K = 32
_NUM_KEYS = 100000
_PAD_W = 100352
_G = 128
_NUM_GROUPS = _PAD_W // _G
_GPAD = 896
_QB = 32
_NUM_Q = 1024
_NCAND = _TOP_K * _G
_QB3 = 256
_NROW = _NUM_Q * _TOP_K
_SC_CORES = 2
_SC_SUBCORES = 16
_SC_WORKERS = _SC_CORES * _SC_SUBCORES
_B_PER_W = _NROW // _SC_WORKERS
_CHUNK = 512
_NCHUNK = _B_PER_W // _CHUNK


def _knorm_body(k_ref, kn_ref):
    k = k_ref[...]
    n = jnp.sqrt(jnp.sum(k * k, axis=1, keepdims=True)) + 1e-8
    kn_ref[...] = k / n


def _k0_normalize(keys_pad):
    return pl.pallas_call(
        _knorm_body,
        grid=(8,),
        in_specs=[pl.BlockSpec((_PAD_W // 8, 16), lambda i: (i, 0))],
        out_specs=pl.BlockSpec((_PAD_W // 8, 16), lambda i: (i, 0)),
        out_shape=jax.ShapeDtypeStruct((_PAD_W, 16), jnp.float32),
    )(keys_pad)


def _groups_body(q_ref, ktn_ref, r_ref, s_ref):
    q = q_ref[...]
    qn = q / (jnp.sqrt(jnp.sum(q * q, axis=1, keepdims=True)) + 1e-8)
    s = jax.lax.dot_general(
        qn.astype(jnp.bfloat16),
        ktn_ref[...].astype(jnp.bfloat16),
        (((1,), (0,)), ((), ())),
        preferred_element_type=jnp.float32,
    )
    s_ref[...] = s.reshape(_QB, _NUM_GROUPS, _G)
    _FULL = _NUM_KEYS // _G
    l128 = jax.lax.broadcasted_iota(jnp.int32, (_QB, 1, _G), 2)
    s_ref[:, _FULL : _FULL + 1, :] = jnp.where(
        l128 >= _NUM_KEYS - _FULL * _G,
        -jnp.inf,
        s_ref[:, _FULL : _FULL + 1, :],
    )
    s_ref[:, _FULL + 1 :, :] = jnp.full(
        (_QB, _NUM_GROUPS - _FULL - 1, _G), -jnp.inf, jnp.float32
    )
    r = jnp.max(s_ref[...], axis=2)
    glane = jax.lax.broadcasted_iota(jnp.int32, (_QB, _GPAD), 1)
    r_ref[...] = jnp.where(
        glane < _NUM_GROUPS,
        jnp.pad(r, ((0, 0), (0, _GPAD - _NUM_GROUPS))),
        -jnp.inf,
    )


def _k1_groups(queries, ktn):
    return pl.pallas_call(
        _groups_body,
        grid=(_NUM_Q // _QB,),
        in_specs=[
            pl.BlockSpec((_QB, 16), lambda i: (i, 0)),
            pl.BlockSpec((16, _PAD_W), lambda i: (0, 0)),
        ],
        out_specs=[
            pl.BlockSpec((_QB, _GPAD), lambda i: (i, 0)),
            pl.BlockSpec((_QB, _NUM_GROUPS, _G), lambda i: (i, 0, 0)),
        ],
        out_shape=[
            jax.ShapeDtypeStruct((_NUM_Q, _GPAD), jnp.float32),
            jax.ShapeDtypeStruct((_NUM_Q, _NUM_GROUPS, _G), jnp.float32),
        ],
    )(queries, ktn)


def _phaseb_body(r_in_ref, gwin_ref, r_ref):
    r_ref[...] = r_in_ref[...]
    glane = jax.lax.broadcasted_iota(jnp.int32, (_NUM_Q, _GPAD), 1)
    col = jax.lax.broadcasted_iota(jnp.int32, (_NUM_Q, _TOP_K), 1)

    def body(i, gwin):
        r = r_ref[...]
        m = jnp.max(r, axis=1)
        g = jnp.min(jnp.where(r == m[:, None], glane, _GPAD), axis=1)
        r_ref[...] = jnp.where(glane == g[:, None], -jnp.inf, r)
        return jnp.where(col == i, g[:, None], gwin)

    gwin_ref[...] = jax.lax.fori_loop(
        0, _TOP_K, body, jnp.zeros((_NUM_Q, _TOP_K), jnp.int32)
    )


def _k1b_select_groups(r_full):
    return pl.pallas_call(
        _phaseb_body,
        out_shape=jax.ShapeDtypeStruct((_NUM_Q, _TOP_K), jnp.int32),
        scratch_shapes=[pltpu.VMEM((_NUM_Q, _GPAD), jnp.float32)],
    )(r_full)


def _gather_body(table_ref, idx_ref, out_ref, idx_v, rows_v, sem):
    wid = jax.lax.axis_index("s") * _SC_CORES + jax.lax.axis_index("c")
    w_base = wid * _B_PER_W

    @pl.loop(0, _NCHUNK)
    def _chunk(c):
        base = w_base + c * _CHUNK
        pltpu.sync_copy(idx_ref.at[pl.ds(base, _CHUNK)], idx_v)
        pltpu.async_copy(table_ref.at[idx_v], rows_v, sem).wait()
        pltpu.sync_copy(rows_v, out_ref.at[pl.ds(base, _CHUNK)])


def _k2_gather(sim_table, row_ids):
    mesh = plsc.VectorSubcoreMesh(core_axis_name="c", subcore_axis_name="s")
    k2 = functools.partial(
        pl.kernel,
        out_type=jax.ShapeDtypeStruct((_NROW, _G), jnp.float32),
        mesh=mesh,
        scratch_types=[
            pltpu.VMEM((_CHUNK,), jnp.int32),
            pltpu.VMEM((_CHUNK, _G), jnp.float32),
            pltpu.SemaphoreType.DMA,
        ],
    )(_gather_body)
    return k2(sim_table, row_ids)


def _final_body(sc_ref, cid_ref, vals_ref, idx_ref, s_ref):
    s_ref[...] = sc_ref[...]
    cid = cid_ref[...]
    col = jax.lax.broadcasted_iota(jnp.int32, (_QB3, _TOP_K), 1)
    big = jnp.int32(1 << 30)

    def body(i, carry):
        vals, idxs = carry
        s = s_ref[...]
        m = jnp.max(s, axis=1)
        wid_ = jnp.min(jnp.where(s == m[:, None], cid, big), axis=1)
        s_ref[...] = jnp.where(cid == wid_[:, None], -jnp.inf, s)
        vals = jnp.where(col == i, m[:, None], vals)
        idxs = jnp.where(col == i, wid_[:, None], idxs)
        return vals, idxs

    vals, idxs = jax.lax.fori_loop(
        0,
        _TOP_K,
        body,
        (
            jnp.zeros((_QB3, _TOP_K), jnp.float32),
            jnp.zeros((_QB3, _TOP_K), jnp.int32),
        ),
    )
    vals_ref[...] = vals
    idx_ref[...] = idxs


def _k3_final(s_cand, cand_ids2):
    return pl.pallas_call(
        _final_body,
        grid=(_NUM_Q // _QB3,),
        in_specs=[
            pl.BlockSpec((_QB3, _NCAND), lambda i: (i, 0)),
            pl.BlockSpec((_QB3, _NCAND), lambda i: (i, 0)),
        ],
        out_specs=[
            pl.BlockSpec((_QB3, _TOP_K), lambda i: (i, 0)),
            pl.BlockSpec((_QB3, _TOP_K), lambda i: (i, 0)),
        ],
        out_shape=[
            jax.ShapeDtypeStruct((_NUM_Q, _TOP_K), jnp.float32),
            jax.ShapeDtypeStruct((_NUM_Q, _TOP_K), jnp.int32),
        ],
        scratch_shapes=[pltpu.VMEM((_QB3, _NCAND), jnp.float32)],
    )(s_cand, cand_ids2)


@jax.jit
def kernel(queries, keys):
    keys_pad = jnp.pad(keys, ((0, _PAD_W - _NUM_KEYS), (0, 0)))
    kn = _k0_normalize(keys_pad)
    ktn = kn.T
    r_full, s3d = _k1_groups(queries, ktn)
    gwin = _k1b_select_groups(r_full)
    sim_table = s3d.reshape(_NUM_Q * _NUM_GROUPS, _G)
    qid = jnp.arange(_NUM_Q, dtype=jnp.int32)[:, None]
    row_ids = (qid * _NUM_GROUPS + gwin).reshape(_NROW)
    gs = _k2_gather(sim_table, row_ids)
    s_cand = gs.reshape(_NUM_Q, _NCAND)
    cand_ids2 = (
        gwin[:, :, None] * _G + jnp.arange(_G, dtype=jnp.int32)[None, None, :]
    ).reshape(_NUM_Q, _NCAND)
    vals, idxs = _k3_final(s_cand, cand_ids2)
    return vals, idxs

# --- scband reference (transcript-rebuilt; emitter-appended) ---
"""Pipeline reference for scband-integrated-retriever-72181220376649 (READ-ONLY COPY).

The authoritative reference and input builder live on the scoring server;
editing this copy changes nothing except your own understanding.
"""

import jax, jax.numpy as jnp
import numpy as np

TOP_K = 32

def setup_inputs(seed: int = 0) -> dict:
    key = jax.random.key(seed)
    k1, k2 = jax.random.split(key)
    queries = jax.random.normal(k1, (1024, 16), dtype=jnp.float32)
    keys = jax.random.normal(k2, (100000, 16), dtype=jnp.float32)
    return {"queries": queries, "keys": keys}

def reference(queries, keys):
    # Normalize query and key embeddings (cosine similarity retrieval)
    qn = queries / (jnp.linalg.norm(queries, axis=-1, keepdims=True) + 1e-8)
    kn = keys / (jnp.linalg.norm(keys, axis=-1, keepdims=True) + 1e-8)
    # Full similarity matrix [Q, K] -- memory-bound streaming over the key set
    sim = qn @ kn.T
    # Retrieve top-k candidate nodes per query (prize scores + candidate ids for PCST stage)
    values, indices = jax.lax.top_k(sim, TOP_K)
    return values, indices

if __name__ == "__main__":
    import jax
    _d = setup_inputs()
    print(jax.jit(kernel)(*tuple(_d.values())))

</pallas_src>

<mosaic_0001>
#map = affine_map<(d0, d1) -> (0, 0)>
#map1 = affine_map<(d0, d1) -> (0)>
module attributes {stable_mosaic.version = 14 : i64} {
  func.func @_gather_body(%arg0: i32, %arg1: i32, %arg2: memref<802816x128xf32, #tpu.memory_space<hbm>>, %arg3: memref<32768xi32, #tpu.memory_space<hbm>>, %arg4: memref<32768x128xf32, #tpu.memory_space<hbm>>, %arg5: memref<512xi32, #tpu.memory_space<vmem>>, %arg6: memref<512x128xf32, #tpu.memory_space<vmem>>, %arg7: memref<!tpu.dma_semaphore, #tpu.memory_space<semaphore_mem>>) attributes {dimension_semantics = [#tpu.dimension_semantics<core_parallel>, #tpu.dimension_semantics<subcore_parallel>], iteration_bounds = array<i64: 2, 16>, scalar_prefetch = 0 : i64, scratch_operands = 3 : i64, tpu.core_type = #tpu.core_type<sc_vector_subcore>, window_params = [{transform_indices = #map}, {transform_indices = #map1}, {transform_indices = #map}]} {
    %mul3A = arith.constant 2 : i32
    %mul3A_0 = arith.muli %arg1, %mul3A : i32
    %add3A = arith.addi %mul3A_0, %arg0 : i32
    %mul3A_1 = arith.constant 1024 : i32
    %mul3A_2 = arith.muli %add3A, %mul3A_1 : i32
    %scan3A = arith.constant 0 : i32
    %scan3A_3 = arith.constant 2 : i32
    %scan3A_4 = arith.addi %scan3A, %scan3A_3 : i32
    %scan3A_5 = arith.constant 1 : i32
    scf.for %scan3A_7 = %scan3A to %scan3A_4 step %scan3A_5  : i32 {
      %mul3A_8 = arith.constant 1 : i32
      %mul3A_9 = arith.muli %scan3A_7, %mul3A_8 : i32
      %add3A_10 = arith.constant 0 : i32
      %add3A_11 = arith.addi %add3A_10, %mul3A_9 : i32
      %mul3A_12 = arith.constant 512 : i32
      %mul3A_13 = arith.muli %add3A_11, %mul3A_12 : i32
      %add3A_14 = arith.addi %mul3A_2, %mul3A_13 : i32
      "tpu.region"() ({
        %run_scoped3A = tpu.sem_alloc : memref<!tpu.dma_semaphore, #tpu.memory_space<semaphore_mem>>
        %dma_start3A_19 = tpu.memref_slice %arg3[%add3A_14] : memref<32768xi32, #tpu.memory_space<hbm>> -> memref<512xi32, #tpu.memory_space<hbm>>
        %dma_start3A_20 = tpu.memref_slice %arg3[%add3A_14] : memref<32768xi32, #tpu.memory_space<hbm>> -> memref<512xi32, #tpu.memory_space<hbm>>
        tpu.enqueue_dma source(%dma_start3A_20 : memref<512xi32, #tpu.memory_space<hbm>>) target(%arg5 : memref<512xi32, #tpu.memory_space<vmem>>) target_semaphore(%run_scoped3A : memref<!tpu.dma_semaphore, #tpu.memory_space<semaphore_mem>>)
        %dma_wait3A_21 = tpu.memref_slice %arg3[%add3A_14] : memref<32768xi32, #tpu.memory_space<hbm>> -> memref<512xi32, #tpu.memory_space<hbm>>
        %dma_wait3A_22 = tpu.memref_slice %arg3[%add3A_14] : memref<32768xi32, #tpu.memory_space<hbm>> -> memref<512xi32, #tpu.memory_space<hbm>>
        tpu.wait_dma2 semaphore(%run_scoped3A : memref<!tpu.dma_semaphore, #tpu.memory_space<semaphore_mem>>) src(%dma_wait3A_22 : memref<512xi32, #tpu.memory_space<hbm>>) dst(%arg5 : memref<512xi32, #tpu.memory_space<vmem>>)
        tpu.yield
      }) : () -> ()
      %dma_start3A = arith.constant 0 : i32
      %dma_start3A_15 = arith.constant 0 : i32
      %dma_start3A_16 = tpu.memref_slice %arg2[%dma_start3A, %dma_start3A_15] : memref<802816x128xf32, #tpu.memory_space<hbm>> -> memref<802816x128xf32, #tpu.memory_space<hbm>>
      tpu.enqueue_indirect_dma source(%dma_start3A_16 : memref<802816x128xf32, #tpu.memory_space<hbm>>) target(%arg6 : memref<512x128xf32, #tpu.memory_space<vmem>>) offsets(%arg5 : memref<512xi32, #tpu.memory_space<vmem>>) semaphore(%arg7 : memref<!tpu.dma_semaphore, #tpu.memory_space<semaphore_mem>>)
      %dma_wait3A = arith.constant 0 : i32
      %dma_wait3A_17 = arith.constant 0 : i32
      %dma_wait3A_18 = tpu.memref_slice %arg2[%dma_wait3A, %dma_wait3A_17] : memref<802816x128xf32, #tpu.memory_space<hbm>> -> memref<802816x128xf32, #tpu.memory_space<hbm>>
      tpu.wait_indirect_dma semaphore(%arg7 : memref<!tpu.dma_semaphore, #tpu.memory_space<semaphore_mem>>) src(%dma_wait3A_18 : memref<802816x128xf32, #tpu.memory_space<hbm>>) dst(%arg6 : memref<512x128xf32, #tpu.memory_space<vmem>>)
      "tpu.region"() ({
        %run_scoped3A = tpu.sem_alloc : memref<!tpu.dma_semaphore, #tpu.memory_space<semaphore_mem>>
        %dma_start3A_19 = arith.constant 0 : i32
        %dma_start3A_20 = tpu.memref_slice %arg4[%add3A_14, %dma_start3A_19] : memref<32768x128xf32, #tpu.memory_space<hbm>> -> memref<512x128xf32, #tpu.memory_space<hbm>>
        %dma_start3A_21 = arith.constant 0 : i32
        %dma_start3A_22 = tpu.memref_slice %arg4[%add3A_14, %dma_start3A_21] : memref<32768x128xf32, #tpu.memory_space<hbm>> -> memref<512x128xf32, #tpu.memory_space<hbm>>
        tpu.enqueue_dma source(%arg6 : memref<512x128xf32, #tpu.memory_space<vmem>>) target(%dma_start3A_22 : memref<512x128xf32, #tpu.memory_space<hbm>>) target_semaphore(%run_scoped3A : memref<!tpu.dma_semaphore, #tpu.memory_space<semaphore_mem>>)
        %dma_wait3A_23 = arith.constant 0 : i32
        %dma_wait3A_24 = tpu.memref_slice %arg4[%add3A_14, %dma_wait3A_23] : memref<32768x128xf32, #tpu.memory_space<hbm>> -> memref<512x128xf32, #tpu.memory_space<hbm>>
        %dma_wait3A_25 = arith.constant 0 : i32
        %dma_wait3A_26 = tpu.memref_slice %arg4[%add3A_14, %dma_wait3A_25] : memref<32768x128xf32, #tpu.memory_space<hbm>> -> memref<512x128xf32, #tpu.memory_space<hbm>>
        tpu.wait_dma2 semaphore(%run_scoped3A : memref<!tpu.dma_semaphore, #tpu.memory_space<semaphore_mem>>) src(%arg6 : memref<512x128xf32, #tpu.memory_space<vmem>>) dst(%dma_wait3A_26 : memref<512x128xf32, #tpu.memory_space<hbm>>)
        tpu.yield
      }) : () -> ()
    }
    %scan3A_6 = arith.constant 2 : i32
    return
  }
}

module attributes {stable_mosaic.version = 14 : i64} {
  func.func @_knorm_body(%arg0: i32, %arg1: memref<12544x16xf32, #tpu.memory_space<vmem>>, %arg2: memref<12544x16xf32, #tpu.memory_space<vmem>>) attributes {dimension_semantics = [#tpu.dimension_semantics<arbitrary>], iteration_bounds = array<i64: 8>, scalar_prefetch = 0 : i64, scratch_operands = 0 : i64, tpu.core_type = #tpu.core_type<tc>, window_params = [{transform_indices = @transform_0, window_bounds = array<i64: 12544, 16>}, {transform_indices = @transform_1, window_bounds = array<i64: 12544, 16>}]} {
    %get3A = arith.constant 0 : index
    %get3A_0 = arith.constant 0 : index
    %get3A_1 = vector.load %arg1[%get3A, %get3A_0] : memref<12544x16xf32, #tpu.memory_space<vmem>>, vector<12544x16xf32>
    %mul3A = arith.mulf %get3A_1, %get3A_1 : vector<12544x16xf32>
    %reduce_sum3A = arith.constant dense<0.000000e+00> : vector<12544xf32>
    %reduce_sum3A_2 = vector.multi_reduction <add>, %mul3A, %reduce_sum3A [1] : vector<12544x16xf32> to vector<12544xf32>
    %broadcast_in_dim3A = vector.shape_cast %reduce_sum3A_2 : vector<12544xf32> to vector<12544x1xf32>
    %sqrt3A = math.sqrt %broadcast_in_dim3A : vector<12544x1xf32>
    %add3A = arith.constant 9.99999993E-9 : f32
    %add3A_3 = vector.broadcast %add3A : f32 to vector<12544x1xf32>
    %add3A_4 = arith.addf %sqrt3A, %add3A_3 : vector<12544x1xf32>
    %div3A = vector.broadcast %add3A_4 : vector<12544x1xf32> to vector<12544x16xf32>
    %div3A_5 = arith.divf %get3A_1, %div3A : vector<12544x16xf32>
    %swap3A = arith.constant 0 : index
    %swap3A_6 = arith.constant 0 : index
    %swap3A_7 = vector.load %arg2[%swap3A, %swap3A_6] : memref<12544x16xf32, #tpu.memory_space<vmem>>, vector<12544x16xf32>
    tpu.vector_store %arg2[%swap3A, %swap3A_6], %div3A_5 {strides = array<i32>} : memref<12544x16xf32, #tpu.memory_space<vmem>>, vector<12544x16xf32>,
    return
  }
  func.func @transform_0(%arg0: i32) -> (i32, i32) {
    %c0_i32 = arith.constant 0 : i32
    %c0_i32_0 = arith.constant 0 : i32
    return %arg0, %c0_i32 : i32, i32
  }
  func.func @transform_1(%arg0: i32) -> (i32, i32) {
    %c0_i32 = arith.constant 0 : i32
    %c0_i32_0 = arith.constant 0 : i32
    return %arg0, %c0_i32 : i32, i32
  }
}

module attributes {stable_mosaic.version = 14 : i64} {
  func.func @_groups_body(%arg0: i32, %arg1: memref<32x16xf32, #tpu.memory_space<vmem>>, %arg2: memref<16x100352xf32, #tpu.memory_space<vmem>>, %arg3: memref<32x896xf32, #tpu.memory_space<vmem>>, %arg4: memref<32x784x128xf32, #tpu.memory_space<vmem>>) attributes {dimension_semantics = [#tpu.dimension_semantics<arbitrary>], iteration_bounds = array<i64: 32>, scalar_prefetch = 0 : i64, scratch_operands = 0 : i64, tpu.core_type = #tpu.core_type<tc>, window_params = [{transform_indices = @transform_0, window_bounds = array<i64: 32, 16>}, {pipeline_mode = #tpu.pipeline_mode<synchronous>, transform_indices = @transform_1, window_bounds = array<i64: 16, 100352>}, {transform_indices = @transform_2, window_bounds = array<i64: 32, 896>}, {transform_indices = @transform_3, window_bounds = array<i64: 32, 784, 128>}]} {
    %get3A = arith.constant 0 : index
    %get3A_0 = arith.constant 0 : index
    %get3A_1 = vector.load %arg1[%get3A, %get3A_0] : memref<32x16xf32, #tpu.memory_space<vmem>>, vector<32x16xf32>
    %mul3A = arith.mulf %get3A_1, %get3A_1 : vector<32x16xf32>
    %reduce_sum3A = arith.constant dense<0.000000e+00> : vector<32xf32>
    %reduce_sum3A_2 = vector.multi_reduction <add>, %mul3A, %reduce_sum3A [1] : vector<32x16xf32> to vector<32xf32>
    %broadcast_in_dim3A = vector.shape_cast %reduce_sum3A_2 : vector<32xf32> to vector<32x1xf32>
    %sqrt3A = math.sqrt %broadcast_in_dim3A : vector<32x1xf32>
    %add3A = arith.constant 9.99999993E-9 : f32
    %add3A_3 = vector.broadcast %add3A : f32 to vector<32x1xf32>
    %add3A_4 = arith.addf %sqrt3A, %add3A_3 : vector<32x1xf32>
    %div3A = vector.broadcast %add3A_4 : vector<32x1xf32> to vector<32x16xf32>
    %div3A_5 = arith.divf %get3A_1, %div3A : vector<32x16xf32>
    %convert_element_type3A = arith.truncf %div3A_5 : vector<32x16xf32> to vector<32x16xbf16>
    %get3A_6 = arith.constant 0 : index
    %get3A_7 = arith.constant 0 : index
    %get3A_8 = vector.load %arg2[%get3A_6, %get3A_7] : memref<16x100352xf32, #tpu.memory_space<vmem>>, vector<16x100352xf32>
    %convert_element_type3A_9 = arith.truncf %get3A_8 : vector<16x100352xf32> to vector<16x100352xbf16>
    %dot_general3A = arith.constant dense<0.000000e+00> : vector<32x100352xf32>
    %dot_general3A_10 = tpu.matmul %convert_element_type3A, %convert_element_type3A_9, %dot_general3A {dimension_numbers = #tpu.dot_dimension_numbers<[1], [0], [0], [1], [0, 0, 1, 1], [], []>, transpose_lhs_hint = false} : vector<32x16xbf16>, vector<16x100352xbf16>, vector<32x100352xf32> -> vector<32x100352xf32>
    %reshape3A = vector.shape_cast %dot_general3A_10 : vector<32x100352xf32> to vector<32x784x128xf32>
    %swap3A = arith.constant 0 : index
    %swap3A_11 = arith.constant 0 : index
    %swap3A_12 = arith.constant 0 : index
    %swap3A_13 = vector.load %arg4[%swap3A, %swap3A_11, %swap3A_12] : memref<32x784x128xf32, #tpu.memory_space<vmem>>, vector<32x784x128xf32>
    tpu.vector_store %arg4[%swap3A, %swap3A_11, %swap3A_12], %reshape3A {strides = array<i32>} : memref<32x784x128xf32, #tpu.memory_space<vmem>>, vector<32x784x128xf32>,
    %iota3A = tpu.iota {dimensions = array<i32: 2>} : vector<32x1x128xi32>
    %ge3A = arith.constant 32 : i32
    %ge3A_14 = vector.broadcast %ge3A : i32 to vector<32x1x128xi32>
    %ge3A_15 = arith.cmpi sge, %iota3A, %ge3A_14 : vector<32x1x128xi32>
    %get3A_16 = arith.constant 0 : index
    %get3A_17 = arith.constant 781 : index
    %get3A_18 = arith.constant 0 : index
    %get3A_19 = vector.load %arg4[%get3A_16, %get3A_17, %get3A_18] : memref<32x784x128xf32, #tpu.memory_space<vmem>>, vector<32x1x128xf32>
    %jit3A = arith.constant 0xFF800000 : f32
    %broadcast_in_dim3A_20 = vector.broadcast %jit3A : f32 to vector<32x1x128xf32>
    %select_n3A = arith.select %ge3A_15, %broadcast_in_dim3A_20, %get3A_19 : vector<32x1x128xi1>, vector<32x1x128xf32>
    %swap3A_21 = arith.constant 0 : index
    %swap3A_22 = arith.constant 781 : index
    %swap3A_23 = arith.constant 0 : index
    %swap3A_24 = vector.load %arg4[%swap3A_21, %swap3A_22, %swap3A_23] : memref<32x784x128xf32, #tpu.memory_space<vmem>>, vector<32x1x128xf32>
    tpu.vector_store %arg4[%swap3A_21, %swap3A_22, %swap3A_23], %select_n3A {strides = array<i32>} : memref<32x784x128xf32, #tpu.memory_space<vmem>>, vector<32x1x128xf32>,
    %broadcast_in_dim3A_25 = arith.constant 0xFF800000 : f32
    %broadcast_in_dim3A_26 = vector.broadcast %broadcast_in_dim3A_25 : f32 to vector<32x2x128xf32>
    %swap3A_27 = arith.constant 0 : index
    %swap3A_28 = arith.constant 782 : index
    %swap3A_29 = arith.constant 0 : index
    %swap3A_30 = vector.load %arg4[%swap3A_27, %swap3A_28, %swap3A_29] : memref<32x784x128xf32, #tpu.memory_space<vmem>>, vector<32x2x128xf32>
    tpu.vector_store %arg4[%swap3A_27, %swap3A_28, %swap3A_29], %broadcast_in_dim3A_26 {strides = array<i32>} : memref<32x784x128xf32, #tpu.memory_space<vmem>>, vector<32x2x128xf32>,
    %get3A_31 = arith.constant 0 : index
    %get3A_32 = arith.constant 0 : index
    %get3A_33 = arith.constant 0 : index
    %get3A_34 = vector.load %arg4[%get3A_31, %get3A_32, %get3A_33] : memref<32x784x128xf32, #tpu.memory_space<vmem>>, vector<32x784x128xf32>
    %reduce_max3A = arith.constant dense<0xFF800000> : vector<32x784xf32>
    %reduce_max3A_35 = vector.multi_reduction <maximumf>, %get3A_34, %reduce_max3A [2] : vector<32x784x128xf32> to vector<32x784xf32>
    %iota3A_36 = tpu.iota {dimensions = array<i32: 1>} : vector<32x896xi32>
    %lt3A = arith.constant 784 : i32
    %lt3A_37 = vector.broadcast %lt3A : i32 to vector<32x896xi32>
    %lt3A_38 = arith.cmpi slt, %iota3A_36, %lt3A_37 : vector<32x896xi32>
    %jit3A_39 = arith.constant 0 : i32
    %convert_element_type3A_40 = arith.sitofp %jit3A_39 : i32 to f32
    %pad3A = vector.broadcast %convert_element_type3A_40 : f32 to vector<32x112xf32>
    %pad3A_41 = tpu.concatenate %reduce_max3A_35, %pad3A in 1 : vector<32x784xf32>, vector<32x112xf32> -> vector<32x896xf32>
    %jit3A_42 = arith.constant 0xFF800000 : f32
    %broadcast_in_dim3A_43 = vector.broadcast %jit3A_42 : f32 to vector<32x896xf32>
    %select_n3A_44 = arith.select %lt3A_38, %pad3A_41, %broadcast_in_dim3A_43 : vector<32x896xi1>, vector<32x896xf32>
    %swap3A_45 = arith.constant 0 : index
    %swap3A_46 = arith.constant 0 : index
    %swap3A_47 = vector.load %arg3[%swap3A_45, %swap3A_46] : memref<32x896xf32, #tpu.memory_space<vmem>>, vector<32x896xf32>
    tpu.vector_store %arg3[%swap3A_45, %swap3A_46], %select_n3A_44 {strides = array<i32>} : memref<32x896xf32, #tpu.memory_space<vmem>>, vector<32x896xf32>,
    return
  }
  func.func @transform_0(%arg0: i32) -> (i32, i32) {
    %c0_i32 = arith.constant 0 : i32
    %c0_i32_0 = arith.constant 0 : i32
    return %arg0, %c0_i32 : i32, i32
  }
  func.func @transform_1(%arg0: i32) -> (i32, i32) {
    %c0_i32 = arith.constant 0 : i32
    %c0_i32_0 = arith.constant 0 : i32
    %c0_i32_1 = arith.constant 0 : i32
    return %c0_i32, %c0_i32_0 : i32, i32
  }
  func.func @transform_2(%arg0: i32) -> (i32, i32) {
    %c0_i32 = arith.constant 0 : i32
    %c0_i32_0 = arith.constant 0 : i32
    return %arg0, %c0_i32 : i32, i32
  }
  func.func @transform_3(%arg0: i32) -> (i32, i32, i32) {
    %c0_i32 = arith.constant 0 : i32
    %c0_i32_0 = arith.constant 0 : i32
    %c0_i32_1 = arith.constant 0 : i32
    return %arg0, %c0_i32, %c0_i32_0 : i32, i32, i32
  }
}

module attributes {stable_mosaic.version = 14 : i64} {
  func.func @_phaseb_body(%arg0: memref<1024x896xf32, #tpu.memory_space<vmem>>, %arg1: memref<1024x32xi32, #tpu.memory_space<vmem>>, %arg2: memref<1024x896xf32, #tpu.memory_space<vmem>>) attributes {dimension_semantics = [], scalar_prefetch = 0 : i64, scratch_operands = 1 : i64, tpu.core_type = #tpu.core_type<tc>} {
    %get3A = arith.constant 0 : index
    %get3A_0 = arith.constant 0 : index
    %get3A_1 = vector.load %arg0[%get3A, %get3A_0] : memref<1024x896xf32, #tpu.memory_space<vmem>>, vector<1024x896xf32>
    %swap3A = arith.constant 0 : index
    %swap3A_2 = arith.constant 0 : index
    %swap3A_3 = vector.load %arg2[%swap3A, %swap3A_2] : memref<1024x896xf32, #tpu.memory_space<vmem>>, vector<1024x896xf32>
    tpu.vector_store %arg2[%swap3A, %swap3A_2], %get3A_1 {strides = array<i32>} : memref<1024x896xf32, #tpu.memory_space<vmem>>, vector<1024x896xf32>,
    %iota3A = tpu.iota {dimensions = array<i32: 1>} : vector<1024x896xi32>
    %iota3A_4 = tpu.iota {dimensions = array<i32: 1>} : vector<1024x32xi32>
    %broadcast_in_dim3A = arith.constant 0 : i32
    %broadcast_in_dim3A_5 = vector.broadcast %broadcast_in_dim3A : i32 to vector<1024x32xi32>
    %scan3A = arith.constant 0 : i32
    %scan3A_6 = arith.constant 32 : i32
    %scan3A_7 = arith.addi %scan3A, %scan3A_6 : i32
    %scan3A_8 = arith.constant 1 : i32
    %scan3A_9 = scf.for %scan3A_14 = %scan3A to %scan3A_7 step %scan3A_8 iter_args(%scan3A_15 = %broadcast_in_dim3A_5) -> (vector<1024x32xi32>)  : i32 {
      %get3A_16 = arith.constant 0 : index
      %get3A_17 = arith.constant 0 : index
      %get3A_18 = vector.load %arg2[%get3A_16, %get3A_17] : memref<1024x896xf32, #tpu.memory_space<vmem>>, vector<1024x896xf32>
      %reduce_max3A = arith.constant dense<0xFF800000> : vector<1024xf32>
      %reduce_max3A_19 = vector.multi_reduction <maximumf>, %get3A_18, %reduce_max3A [1] : vector<1024x896xf32> to vector<1024xf32>
      %broadcast_in_dim3A_20 = vector.shape_cast %reduce_max3A_19 : vector<1024xf32> to vector<1024x1xf32>
      %eq3A = vector.broadcast %broadcast_in_dim3A_20 : vector<1024x1xf32> to vector<1024x896xf32>
      %eq3A_21 = arith.cmpf oeq, %get3A_18, %eq3A : vector<1024x896xf32>
      %jit3A = arith.constant 896 : i32
      %broadcast_in_dim3A_22 = vector.broadcast %jit3A : i32 to vector<1024x896xi32>
      %select_n3A = arith.select %eq3A_21, %iota3A, %broadcast_in_dim3A_22 : vector<1024x896xi1>, vector<1024x896xi32>
      %reduce_min3A = arith.constant dense<2147483647> : vector<1024xi32>
      %reduce_min3A_23 = vector.multi_reduction <minsi>, %select_n3A, %reduce_min3A [1] : vector<1024x896xi32> to vector<1024xi32>
      %broadcast_in_dim3A_24 = vector.shape_cast %reduce_min3A_23 : vector<1024xi32> to vector<1024x1xi32>
      %eq3A_25 = vector.broadcast %broadcast_in_dim3A_24 : vector<1024x1xi32> to vector<1024x896xi32>
      %eq3A_26 = arith.cmpi eq, %iota3A, %eq3A_25 : vector<1024x896xi32>
      %jit3A_27 = arith.constant 0xFF800000 : f32
      %broadcast_in_dim3A_28 = vector.broadcast %jit3A_27 : f32 to vector<1024x896xf32>
      %select_n3A_29 = arith.select %eq3A_26, %broadcast_in_dim3A_28, %get3A_18 : vector<1024x896xi1>, vector<1024x896xf32>
      %swap3A_30 = arith.constant 0 : index
      %swap3A_31 = arith.constant 0 : index
      %swap3A_32 = vector.load %arg2[%swap3A_30, %swap3A_31] : memref<1024x896xf32, #tpu.memory_space<vmem>>, vector<1024x896xf32>
      tpu.vector_store %arg2[%swap3A_30, %swap3A_31], %select_n3A_29 {strides = array<i32>} : memref<1024x896xf32, #tpu.memory_space<vmem>>, vector<1024x896xf32>,
      %eq3A_33 = vector.broadcast %scan3A_14 : i32 to vector<1024x32xi32>
      %eq3A_34 = arith.cmpi eq, %iota3A_4, %eq3A_33 : vector<1024x32xi32>
      %broadcast_in_dim3A_35 = vector.shape_cast %reduce_min3A_23 : vector<1024xi32> to vector<1024x1xi32>
      %broadcast_in_dim3A_36 = vector.shape_cast %broadcast_in_dim3A_35 : vector<1024x1xi32> to vector<1024x1xi32>
      %broadcast_in_dim3A_37 = vector.broadcast %broadcast_in_dim3A_36 : vector<1024x1xi32> to vector<1024x32xi32>
      %select_n3A_38 = arith.select %eq3A_34, %broadcast_in_dim3A_37, %scan3A_15 : vector<1024x32xi1>, vector<1024x32xi32>
      scf.yield %select_n3A_38 : vector<1024x32xi32>
    }
    %scan3A_10 = arith.constant 32 : i32
    %swap3A_11 = arith.constant 0 : index
    %swap3A_12 = arith.constant 0 : index
    %swap3A_13 = vector.load %arg1[%swap3A_11, %swap3A_12] : memref<1024x32xi32, #tpu.memory_space<vmem>>, vector<1024x32xi32>
    tpu.vector_store %arg1[%swap3A_11, %swap3A_12], %scan3A_9 {strides = array<i32>} : memref<1024x32xi32, #tpu.memory_space<vmem>>, vector<1024x32xi32>,
    return
  }
}

module attributes {stable_mosaic.version = 14 : i64} {
  func.func @_final_body(%arg0: i32, %arg1: memref<256x4096xf32, #tpu.memory_space<vmem>>, %arg2: memref<256x4096xi32, #tpu.memory_space<vmem>>, %arg3: memref<256x32xf32, #tpu.memory_space<vmem>>, %arg4: memref<256x32xi32, #tpu.memory_space<vmem>>, %arg5: memref<256x4096xf32, #tpu.memory_space<vmem>>) attributes {dimension_semantics = [#tpu.dimension_semantics<arbitrary>], iteration_bounds = array<i64: 4>, scalar_prefetch = 0 : i64, scratch_operands = 1 : i64, tpu.core_type = #tpu.core_type<tc>, window_params = [{transform_indices = @transform_0, window_bounds = array<i64: 256, 4096>}, {transform_indices = @transform_1, window_bounds = array<i64: 256, 4096>}, {transform_indices = @transform_2, window_bounds = array<i64: 256, 32>}, {transform_indices = @transform_3, window_bounds = array<i64: 256, 32>}]} {
    %get3A = arith.constant 0 : index
    %get3A_0 = arith.constant 0 : index
    %get3A_1 = vector.load %arg1[%get3A, %get3A_0] : memref<256x4096xf32, #tpu.memory_space<vmem>>, vector<256x4096xf32>
    %swap3A = arith.constant 0 : index
    %swap3A_2 = arith.constant 0 : index
    %swap3A_3 = vector.load %arg5[%swap3A, %swap3A_2] : memref<256x4096xf32, #tpu.memory_space<vmem>>, vector<256x4096xf32>
    tpu.vector_store %arg5[%swap3A, %swap3A_2], %get3A_1 {strides = array<i32>} : memref<256x4096xf32, #tpu.memory_space<vmem>>, vector<256x4096xf32>,
    %get3A_4 = arith.constant 0 : index
    %get3A_5 = arith.constant 0 : index
    %get3A_6 = vector.load %arg2[%get3A_4, %get3A_5] : memref<256x4096xi32, #tpu.memory_space<vmem>>, vector<256x4096xi32>
    %iota3A = tpu.iota {dimensions = array<i32: 1>} : vector<256x32xi32>
    %broadcast_in_dim3A = arith.constant 0.000000e+00 : f32
    %broadcast_in_dim3A_7 = vector.broadcast %broadcast_in_dim3A : f32 to vector<256x32xf32>
    %broadcast_in_dim3A_8 = arith.constant 0 : i32
    %broadcast_in_dim3A_9 = vector.broadcast %broadcast_in_dim3A_8 : i32 to vector<256x32xi32>
    %scan3A = arith.constant 1073741824 : i32
    %scan3A_10 = arith.constant 0 : i32
    %scan3A_11 = arith.constant 32 : i32
    %scan3A_12 = arith.addi %scan3A_10, %scan3A_11 : i32
    %scan3A_13 = arith.constant 1 : i32
    %scan3A_14:2 = scf.for %scan3A_22 = %scan3A_10 to %scan3A_12 step %scan3A_13 iter_args(%scan3A_23 = %broadcast_in_dim3A_7, %scan3A_24 = %broadcast_in_dim3A_9) -> (vector<256x32xf32>, vector<256x32xi32>)  : i32 {
      %get3A_25 = arith.constant 0 : index
      %get3A_26 = arith.constant 0 : index
      %get3A_27 = vector.load %arg5[%get3A_25, %get3A_26] : memref<256x4096xf32, #tpu.memory_space<vmem>>, vector<256x4096xf32>
      %reduce_max3A = arith.constant dense<0xFF800000> : vector<256xf32>
      %reduce_max3A_28 = vector.multi_reduction <maximumf>, %get3A_27, %reduce_max3A [1] : vector<256x4096xf32> to vector<256xf32>
      %broadcast_in_dim3A_29 = vector.shape_cast %reduce_max3A_28 : vector<256xf32> to vector<256x1xf32>
      %eq3A = vector.broadcast %broadcast_in_dim3A_29 : vector<256x1xf32> to vector<256x4096xf32>
      %eq3A_30 = arith.cmpf oeq, %get3A_27, %eq3A : vector<256x4096xf32>
      %broadcast_in_dim3A_31 = vector.broadcast %scan3A : i32 to vector<256x4096xi32>
      %select_n3A = arith.select %eq3A_30, %get3A_6, %broadcast_in_dim3A_31 : vector<256x4096xi1>, vector<256x4096xi32>
      %reduce_min3A = arith.constant dense<2147483647> : vector<256xi32>
      %reduce_min3A_32 = vector.multi_reduction <minsi>, %select_n3A, %reduce_min3A [1] : vector<256x4096xi32> to vector<256xi32>
      %broadcast_in_dim3A_33 = vector.shape_cast %reduce_min3A_32 : vector<256xi32> to vector<256x1xi32>
      %eq3A_34 = vector.broadcast %broadcast_in_dim3A_33 : vector<256x1xi32> to vector<256x4096xi32>
      %eq3A_35 = arith.cmpi eq, %get3A_6, %eq3A_34 : vector<256x4096xi32>
      %jit3A = arith.constant 0xFF800000 : f32
      %broadcast_in_dim3A_36 = vector.broadcast %jit3A : f32 to vector<256x4096xf32>
      %select_n3A_37 = arith.select %eq3A_35, %broadcast_in_dim3A_36, %get3A_27 : vector<256x4096xi1>, vector<256x4096xf32>
      %swap3A_38 = arith.constant 0 : index
      %swap3A_39 = arith.constant 0 : index
      %swap3A_40 = vector.load %arg5[%swap3A_38, %swap3A_39] : memref<256x4096xf32, #tpu.memory_space<vmem>>, vector<256x4096xf32>
      tpu.vector_store %arg5[%swap3A_38, %swap3A_39], %select_n3A_37 {strides = array<i32>} : memref<256x4096xf32, #tpu.memory_space<vmem>>, vector<256x4096xf32>,
      %eq3A_41 = vector.broadcast %scan3A_22 : i32 to vector<256x32xi32>
      %eq3A_42 = arith.cmpi eq, %iota3A, %eq3A_41 : vector<256x32xi32>
      %broadcast_in_dim3A_43 = vector.shape_cast %reduce_max3A_28 : vector<256xf32> to vector<256x1xf32>
      %broadcast_in_dim3A_44 = vector.shape_cast %broadcast_in_dim3A_43 : vector<256x1xf32> to vector<256x1xf32>
      %broadcast_in_dim3A_45 = vector.broadcast %broadcast_in_dim3A_44 : vector<256x1xf32> to vector<256x32xf32>
      %select_n3A_46 = arith.select %eq3A_42, %broadcast_in_dim3A_45, %scan3A_23 : vector<256x32xi1>, vector<256x32xf32>
      %eq3A_47 = vector.broadcast %scan3A_22 : i32 to vector<256x32xi32>
      %eq3A_48 = arith.cmpi eq, %iota3A, %eq3A_47 : vector<256x32xi32>
      %broadcast_in_dim3A_49 = vector.shape_cast %reduce_min3A_32 : vector<256xi32> to vector<256x1xi32>
      %broadcast_in_dim3A_50 = vector.shape_cast %broadcast_in_dim3A_49 : vector<256x1xi32> to vector<256x1xi32>
      %broadcast_in_dim3A_51 = vector.broadcast %broadcast_in_dim3A_50 : vector<256x1xi32> to vector<256x32xi32>
      %select_n3A_52 = arith.select %eq3A_48, %broadcast_in_dim3A_51, %scan3A_24 : vector<256x32xi1>, vector<256x32xi32>
      scf.yield %select_n3A_46, %select_n3A_52 : vector<256x32xf32>, vector<256x32xi32>
    }
    %scan3A_15 = arith.constant 32 : i32
    %swap3A_16 = arith.constant 0 : index
    %swap3A_17 = arith.constant 0 : index
    %swap3A_18 = vector.load %arg3[%swap3A_16, %swap3A_17] : memref<256x32xf32, #tpu.memory_space<vmem>>, vector<256x32xf32>
    tpu.vector_store %arg3[%swap3A_16, %swap3A_17], %scan3A_14#0 {strides = array<i32>} : memref<256x32xf32, #tpu.memory_space<vmem>>, vector<256x32xf32>,
    %swap3A_19 = arith.constant 0 : index
    %swap3A_20 = arith.constant 0 : index
    %swap3A_21 = vector.load %arg4[%swap3A_19, %swap3A_20] : memref<256x32xi32, #tpu.memory_space<vmem>>, vector<256x32xi32>
    tpu.vector_store %arg4[%swap3A_19, %swap3A_20], %scan3A_14#1 {strides = array<i32>} : memref<256x32xi32, #tpu.memory_space<vmem>>, vector<256x32xi32>,
    return
  }
  func.func @transform_0(%arg0: i32) -> (i32, i32) {
    %c0_i32 = arith.constant 0 : i32
    %c0_i32_0 = arith.constant 0 : i32
    return %arg0, %c0_i32 : i32, i32
  }
  func.func @transform_1(%arg0: i32) -> (i32, i32) {
    %c0_i32 = arith.constant 0 : i32
    %c0_i32_0 = arith.constant 0 : i32
    return %arg0, %c0_i32 : i32, i32
  }
  func.func @transform_2(%arg0: i32) -> (i32, i32) {
    %c0_i32 = arith.constant 0 : i32
    %c0_i32_0 = arith.constant 0 : i32
    return %arg0, %c0_i32 : i32, i32
  }
  func.func @transform_3(%arg0: i32) -> (i32, i32) {
    %c0_i32 = arith.constant 0 : i32
    %c0_i32_0 = arith.constant 0 : i32
    return %arg0, %c0_i32 : i32, i32
  }
}

</mosaic_0001>

<sc_bundles>
// kernel: kernel.7.cloned.1.call-start
scs
__scs_entry_jumppad:
0x0: {  	(pc) =	sbr.rel $0x88, $3  }
0x1: {  	(tag) =	ssettag $0x0;
	lr =	simm.s32 $0x1  }
0x2: {  	[smem:$0x3F9F] =	sst lr;
	_ =	strace $0xD0000000  }
0x3: {  	_ = 	snop  }
0x4: {  	_ = 	snop  }
0x5: {  	_ = 	snop  }
0x6: {  	_ = 	snop  }
0x7: {  	_ = 	snop  }
__scs_overlays_trampoline_lowered:
0x8: {  	[smem:$0x3FAE] =	sst s0  }
0x9: {  	[smem:$0x3FAF] =	sst s1  }
0xa: {  	[smem:$0x3FB0] =	sst s2  }
0xb: {  	[smem:$0x3FB1] =	sst s3  }
0xc: {  	[smem:$0x3FB2] =	sst s4  }
0xd: {  	[smem:$0x3FB3] =	sst s5  }
0xe: {  	[smem:$0x3FB4] =	sst s6  }
0xf: {  	[smem:$0x3FB5] =	sst s7  }
0x10: {  	[smem:$0x3FB6] =	sst s8  }
0x11: {  	[smem:$0x3FB7] =	sst s9;
	s0 =	simm.s32 @!p0 $0x0  }
0x12: {  	s1 =	sld [smem:$0x3F9D];
	s0 =	simm.s32 @p0 $0x1  }
0x13: {  	[smem:$0x3FB8] =	sst s0;
	s0 =	simm.s32 @!p1 $0x0  }
0x14: {  	s2 =	sld [smem:$0x3F9C];
	s0 =	simm.s32 @p1 $0x1  }
0x15: {  	[smem:$0x3FB9] =	sst s0;
	s0 =	simm.s32 @!p2 $0x0  }
0x16: {  	s3 =	sld [smem:$0x3FDB];
	s0 =	simm.s32 @p2 $0x1  }
0x17: {  	s4 =	simm.s32 $0x1BF5;
	[smem:$0x3FBB] =	sst s0  }
0x18: {  	s0 =	sld [smem:$0x3F9E];
	_ =	swait.ge [sflag:s4], $0x0  }
0x19: {  	s7 =	sld [smem:$0x3F9F]  }
0x1a: {  	s8 =	sadd.s32 $0xFFFFE003, lr  }
0x1b: {  	s9 =	sadd.s32 $0xFFFFFEF7, lr;
	s5 =	simm.s32 $0xFFFFFFFF;
	p2 =	slt.u32 s8, $0xFFFFF086  }
0x1c: {  	p1 =	slt.u32 s9, $0xF7A;
	s5 =	simm.s32 @!p2 $0x0  }
0x1d: {  	s5 =	simm.s32 @p1 $0x1;
	p0 =	seq.s32 s7, s2  }
0x1e: {  	s7 =	smul.u32 @!p0 $0xF7A, s2;
	p2 =	seq.s32 @!p0 s5, $0x0  }
0x1f: {  	s9 =	smul.u32 $0xF7A, s1;
	s8 =	simm.s32 @!p0 $0x1BF5;
	p2 =	por !p2, p0  }
0x20: {  	[sflag:s8] =	ssyncset.s32 @!p0 $0xFFFFF086;
	s6 =	sadd.s32 @!p0 s3, s7;
	s7 =	simm.s32 @!p0 $0x108  }
0x21: {  	s3 =	sadd.s32 s3, s9;
	s6 =	sadd.s32 @!p0 $0x88, s6;
	s7 =	simm.s32 @p2 $0x1082  }
0x22: {  	[simem:s7], [sflag:s8] =	dma.local @!p0 [hbm:s6], $0xF7A  }
0x23: {  	s9 =	sor.u32 $0xD0000000, s2;
	s6 =	simm.s32 $0x108;
	_ =	swait.ge @!p0 [sflag:s8], $0x0  }
0x24: {  	s3 =	sadd.s32 $0x88, s3;
	s6 =	simm.s32 @!p1 $0x1082;
	[sflag:s4] =	ssyncset.s32 $0xFFFFF086  }
0x25: {  	[simem:s6], [sflag:s4] =	dma.local [hbm:s3], $0xF7A  }
0x26: {  	[smem:$0x3F9F] =	sst s1;
	(tag) =	ssettag s2;
	_ =	strace s9  }
0x27: {  	s1 =	sld [smem:$0x3FAF]  }
0x28: {  	s2 =	sld [smem:$0x3FB0]  }
0x29: {  	s4 =	sld [smem:$0x3FB2]  }
0x2a: {  	p0 =	seq.s32 s5, $0x0;
	s5 =	sld [smem:$0x3FB3]  }
0x2b: {  	s6 =	sld [smem:$0x3FB4]  }
0x2c: {  	s7 =	sld [smem:$0x3FB5]  }
0x2d: {  	s3 =	simm.s32 $0x108;
	s8 =	sld [smem:$0x3FB6]  }
0x2e: {  	s3 =	simm.s32 @!p0 $0x1082;
	s9 =	sld [smem:$0x3FB7]  }
0x2f: {  	lr =	sadd.s32 s0, s3;
	s0 =	sld [smem:$0x3FAE]  }
0x30: {  	s3 =	sld [smem:$0x3FB1]  }
0x31: {  	[smem:$0x3FBA] =	sst s10  }
0x32: {  	s10 =	sld [smem:$0x3FB8];
	_ =	sdelay $0x3  }
0x33: {  	p0 =	seq.s32 s10, $0x1;
	s10 =	sld [smem:$0x3FBA];
	_ =	sdelay $0x3  }
0x34: {  	[smem:$0x3FBA] =	sst s10  }
0x35: {  	s10 =	sld [smem:$0x3FB9];
	_ =	sdelay $0x3  }
0x36: {  	p1 =	seq.s32 s10, $0x1;
	s10 =	sld [smem:$0x3FBA];
	_ =	sdelay $0x3  }
0x37: {  	[smem:$0x3FBA] =	sst s10  }
0x38: {  	s10 =	sld [smem:$0x3FBB]  }
0x39: {  	_ = 	snop;
	(pc) =	sbr.ind lr, $3  }
0x3a: {  	_ = 	snop  }
0x3b: {  	_ = 	snop  }
0x3c: {  	p2 =	seq.s32 s10, $0x1;
	s10 =	sld [smem:$0x3FBA]  }
0x3d: {  	_ =	shalt  }
0x3e: {  	_ =	shalt  }
0x3f: {  	_ =	shalt  }
0x40: {  	_ =	shalt  }
0x41: {  	_ =	shalt  }
0x42: {  	_ =	shalt  }
0x43: {  	_ =	shalt  }
0x44: {  	_ =	shalt  }
0x45: {  	_ =	shalt  }
0x46: {  	_ =	shalt  }
0x47: {  	_ =	shalt  }
0x48: {  	_ =	shalt  }
0x49: {  	_ =	shalt  }
0x4a: {  	_ =	shalt  }
0x4b: {  	_ =	shalt  }
0x4c: {  	_ =	shalt  }
0x4d: {  	_ =	shalt  }
0x4e: {  	_ =	shalt  }
0x4f: {  	_ =	shalt  }
0x50: {  	_ =	shalt  }
0x51: {  	_ =	shalt  }
0x52: {  	_ =	shalt  }
0x53: {  	_ =	shalt  }
0x54: {  	_ =	shalt  }
0x55: {  	_ =	shalt  }
0x56: {  	_ =	shalt  }
0x57: {  	_ =	shalt  }
0x58: {  	_ =	shalt  }
0x59: {  	_ =	shalt  }
0x5a: {  	_ =	shalt  }
0x5b: {  	_ =	shalt  }
0x5c: {  	_ =	shalt  }
0x5d: {  	_ =	shalt  }
0x5e: {  	_ =	shalt  }
0x5f: {  	_ =	shalt  }
0x60: {  	_ =	shalt  }
0x61: {  	_ =	shalt  }
0x62: {  	_ =	shalt  }
0x63: {  	_ =	shalt  }
0x64: {  	_ =	shalt  }
0x65: {  	_ =	shalt  }
0x66: {  	_ =	shalt  }
0x67: {  	_ =	shalt  }
0x68: {  	_ =	shalt  }
0x69: {  	_ =	shalt  }
0x6a: {  	_ =	shalt  }
0x6b: {  	_ =	shalt  }
0x6c: {  	_ =	shalt  }
0x6d: {  	_ =	shalt  }
0x6e: {  	_ =	shalt  }
0x6f: {  	_ =	shalt  }
0x70: {  	_ =	shalt  }
0x71: {  	_ =	shalt  }
0x72: {  	_ =	shalt  }
0x73: {  	_ =	shalt  }
0x74: {  	_ =	shalt  }
0x75: {  	_ =	shalt  }
0x76: {  	_ =	shalt  }
0x77: {  	_ =	shalt  }
0x78: {  	_ =	shalt  }
0x79: {  	_ =	shalt  }
0x7a: {  	_ =	shalt  }
0x7b: {  	_ =	shalt  }
0x7c: {  	_ =	shalt  }
0x7d: {  	_ =	shalt  }
0x7e: {  	_ =	shalt  }
0x7f: {  	_ =	shalt  }
0x80: {  	_ =	shalt  }
0x81: {  	_ =	shalt  }
0x82: {  	_ =	shalt  }
0x83: {  	_ =	shalt  }
0x84: {  	_ =	shalt  }
0x85: {  	_ =	shalt  }
0x86: {  	_ =	shalt  }
0x87: {  	_ =	shalt  }
.Lfunc_end0:
.L_simem_size_0:
called_computation_lowered:
.L_overlay_start_0:
0x88: {  	s2 =	sld [smem:$0x3FD9]  }
0x89: {  	s3 =	sld [smem:$0x3FFE];
	_ =	sdelay $0x1  }
0x8a: {  	s1 =	srdreg.scid  }
0x8b: {  	s0 =	sand.u32 $0x1, s1  }
0x8c: {  	s14 =	sshll.u32 s0, $0xA;
	s2 =	sadd.s32 s3, s2  }
0x8d: {  	s2 =	sadd.s32 s2, s14  }
0x8e: {  	[smem:$0x3FC6] =	sst s2  }
0x8f: {  	_ = 	snop  }
0x90: {  	s2 =	sld [smem:$0x3FD0];
	_ =	sdelay $0x2  }
0x91: {  	s15 =	simm.s32 $0xA;
	s4 =	simm.s32 $0x10  }
0x92: {  	[smem:s4], [sflag:s15] =	dma.local [hbm:s2], $0x1  }
0x93: {  	_ =	swait.eq [sflag:s15], $0x1  }
0x94: {  	[sflag:s15] =	ssyncset.done $0x0  }
0x95: {  	[sflag:s15] =	ssyncadd.s32 $0xFFFFFFFF  }
0x96: {  	s16 =	sld [smem:$0x11];
	(tm) =	ssettm $0x1  }
0x97: {  	s17 =	sld [smem:$0x3FFB];
	_ =	sdelay $0x3  }
0x98: {  	_ =	strace s17  }
0x99: {  	s3 =	sld [smem:$0x3FFC];
	_ =	sdelay $0x3  }
0x9a: {  	_ =	strace s3  }
0x9b: {  	s3 =	sld [smem:$0x3FFD];
	_ =	sdelay $0x3  }
0x9c: {  	_ =	strace s3  }
0x9d: {  	_ =	strace $0x8FFFFFFF  }
0x9e: {  	s18 =	sld [smem:$0x3FDB];
	_ =	sdelay $0x1  }
0x9f: {  	s19 =	simm.s32 $_scs_section_size  }
0xa0: {  	s5 =	simm.s32 $_size__tile_overlayer_lowered;
	s6 =	simm.s32 $_tile_overlayer_lowered  }
0xa1: {  	s22 =	simm.s32 $0x1BFF;
	s21 =	sshll.u32 s6, $0x1;
	s3 =	sadd.s32 s19, s18  }
0xa2: {  	s7 =	simm.s32 $0x0;
	s20 =	sshll.u32 s5, $0x1;
	s5 =	sadd.s32 s21, s3  }
0xa3: {  	[timem:s7], [sflag:s22] =	dma.local [hbm:s5], s20  }
0xa4: {  	_ =	swait.ge [sflag:s22], s20  }
0xa5: {  	s4 =	ssub.s32 $0x0, s20;
	[sflag:s22] =	ssyncset.done $0x0  }
0xa6: {  	[sflag:s22] =	ssyncadd.s32 s4;
	_ =	sdelay $0x1  }
0xa7: {  	s23 =	simm.s32 $0x1B8B  }
0xa8: {  	_ =	swait.ge [sflag:s23], $0x1  }
0xa9: {  	[sflag:s23] =	ssyncset.done $0x0  }
0xaa: {  	s25 =	simm.s32 $0x1B8E;
	s24 =	sld [smem:$0x3FFE];
	[sflag:s23] =	ssyncadd.s32 $0xFFFFFFFF  }
0xab: {  	s26 =	simm.s32 $execute0_lowered;
	[smem:$0x3FD2] =	sst s25  }
0xac: {  	s5 =	sshll.u32 s26, $0x1;
	_ =	strace $0x80000046;
	[dreg:$0x1] =	wrdreg $0xFFFFFFFF  }
0xad: {  	s28 =	simm.s32 $_size_execute0_lowered;
	s3 =	sadd.s32 s3, s5;
	[dreg:$0x0] =	wrdreg $0x0  }
0xae: {  	s5 =	sshll.u32 s28, $0x1;
	[dreg:$0x2] =	wrdreg s3  }
0xaf: {  	[dreg:$0x3] =	wrdreg s5  }
0xb0: {  	[dreg:$0x4] =	wrdreg $0xC0  }
0xb1: {  	_ =	task [dreg:s7], $0x5FFFF  }
0xb2: {  	[dreg:$0x1] =	wrdreg $0xFFFFFFFF  }
0xb3: {  	[dreg:$0x0] =	wrdreg $0x60  }
0xb4: {  	[dreg:$0x2] =	wrdreg s24  }
0xb5: {  	[dreg:$0x3] =	wrdreg s16  }
0xb6: {  	[dreg:$0x4] =	wrdreg $0x9  }
0xb7: {  	_ =	task.clear_ibuf [dreg:s7], $0x5FFFF;
	_ =	strace $0x90000046  }
0xb8: {  	s29 =	simm.s32 $0x9;
	_ =	strace $0x80000048  }
0xb9: {  	_ =	swait.ge [sflag:s29], $0x1  }
0xba: {  	[sflag:s29] =	ssyncadd.s32 $0xFFFFFFFF  }
0xbb: {  	_ =	strace $0x90000048  }
0xbc: {  	_ =	sfence  }
0xbd: {  	s30 =	sld [smem:$0x0];
	_ =	sdelay $0x2  }
0xbe: {  	s31 =	sshll.u32 s1, $0xD;
	s1 =	sshrl.u32 s1, $0x2  }
0xbf: {  	s3 =	sand.u32 $0x4000, s31;
	s1 =	sadd.s32 s1, s30  }
0xc0: {  	s0 =	sor.u32 s3, s0;
	s1 =	sshll.u32 s1, $0x11  }
0xc1: {  	s0 =	sor.u32 s1, s0  }
0xc2: {  	s0 =	sadd.s32 $0x8F2B, s0  }
0xc3: {  	[sflag:s0] =	ssyncadd.remote.s32 $0x1  }
0xc4: {  	_ =	sfence.sel $0xFFFF  }
0xc5: {  	[dreg:$0x0] =	wrdreg $0xFFFFFFFF;
	(pc) =	sbr.abs _section_cstart, $3  }
0xc6: {  	[dreg:$0x1] =	wrdreg $0xFFFFFFFF  }
0xc7: {  	_ =	task.clear_ibuf [dreg:s7], $0x2FFFF;
	_ =	strace $0x9FFFFFFF  }
0xc8: {  	(tm) =	ssettm $0x7FFFFFFF  }
0xc9: {  	_ =	shalt  }
tec
execute0_lowered:
.L_overlay_start_1:
0x0: {  	(tag) =	ssettag $0x1  }
0x1: {  	s1 =	srdreg.scid  }
0x2: {  	s8 =	rddreg [dreg:$0x0];
	s0 =	stileid.u32;
	s10 =	sand.u32 $0x1, s1  }
0x3: {  	s9 =	rddreg [dreg:$0x1];
	s3 =	sshll.u32 s0, $0xB;
	s4 =	sshll.u32 s10, $0xA  }
0x4: {  	s2 =	simm.s32 $0x0;
	s1 =	rddreg [dreg:$0x2];
	s11 =	sor.u32 s4, s3  }
0x5: {  	[smem:$0x7FF] =	sst s2;
	s3 =	sshrl.u32 s11, $0x3  }
0x6: {  	_ =	strace $0x80000047;
	s4 =	sadd.s32 s9, s3;
	s3 =	simm.s32 $0x2  }
0x7: {  	[tilespmem:s2], [sflag:$0x2] =	stream.linear.gather [hbm4b:s4+s2], $0x200, $0x38;
	[tilespmem:$0x10200] =	vst v63  }
0x8: {  	_ =	swait.ge [sflag:s3], $0x200  }
0x9: {  	s6 =	simm.s32 $0x200;
	[sflag:s3] =	ssyncset.done $0x0  }
0xa: {  	s7 =	simm.s32 $0x1;
	s5 =	sadd.s32 $0xE00, s8;
	[sflag:s3] =	ssyncadd.s32 $0xFFFFFE00  }
0xb: {  	[tilespmem:s6], [sflag:$0x1] =	stream.indirect.gather [hbm4b:s5+s6], $0x80, s2, s6, $0xb8;
	[tilespmem:$0x10200] =	vst v63  }
0xc: {  	_ =	swait.ge [sflag:s7], $0x10000  }
0xd: {  	s12 =	sadd.s32 $0xC44E00, s8;
	s28 =	sshll.u32 s11, $0x4;
	[sflag:s7] =	ssyncset.done $0x0  }
0xe: {  	s8 =	sadd.s32 s12, s28;
	[sflag:s7] =	ssyncadd.s32 $0xFFFF0000  }
0xf: {  	[hbm4b:s8+s2] =	stream.linear.scatter [tilespmem:s6], [sflag:$0x2], $0x10000, $0x38;
	[tilespmem:$0x10200] =	vst v63  }
0x10: {  	s11 =	sor.u32 $0x200, s11;
	_ =	swait.ge [sflag:s3], $0x10000  }
0x11: {  	s13 =	sshrl.u32 s11, $0x3;
	[sflag:s3] =	ssyncset.done $0x0  }
0x12: {  	s10 =	ssub.s32 $0x2, s10;
	s9 =	sadd.s32 s9, s13;
	[sflag:s3] =	ssyncadd.s32 $0xFFFF0000  }
0x13: {  	[tilespmem:s2], [sflag:$0x2] =	stream.linear.gather [hbm4b:s9+s2], $0x200, $0x38;
	[tilespmem:$0x10200] =	vst v63  }
0x14: {  	s29 =	sshrl.u32 s10, $0x1;
	_ =	swait.ge [sflag:s3], $0x200  }
0x15: {  	s13 =	ssub.s32 s10, s29;
	[sflag:s3] =	ssyncset.done $0x0  }
0x16: {  	s31 =	smax.u32 s13, $0x1;
	[sflag:s3] =	ssyncadd.s32 $0xFFFFFE00  }
0x17: {  	[tilespmem:s6], [sflag:$0x1] =	stream.indirect.gather [hbm4b:s5+s6], $0x80, s2, s6, $0xb8;
	[tilespmem:$0x10200] =	vst v63  }
0x18: {  	p0 =	sne.s32 s31, $0x1;
	_ =	swait.ge [sflag:s7], $0x10000  }
.Ltmp0:
0x19: {  	s30 =	sshll.u32 s11, $0x4;
	[sflag:s7] =	ssyncset.done $0x0;
	(pc) =	sbr.rel @!p0 .LBB2_2-.Ltmp0, $4  }
0x1a: {  	s10 =	sadd.s32 s12, s30;
	[sflag:s7] =	ssyncadd.s32 $0xFFFF0000  }
0x1b: {  	[hbm4b:s10+s2] =	stream.linear.scatter [tilespmem:s6], [sflag:$0x2], $0x10000, $0x38;
	[tilespmem:$0x10200] =	vst v63  }
0x1c: {  	_ =	swait.ge [sflag:s3], $0x10000  }
0x1d: {  	s11 =	sadd.s32 $0xFFFFFFFF, s31;
	[sflag:s3] =	ssyncset.done $0x0  }
.LBB2_1:
0x1e: {  	p0 =	sne.s32 s11, $0x1;
	s11 =	sadd.s32 $0xFFFFFFFF, s11;
	[sflag:s3] =	ssyncadd.s32 $0xFFFF0000  }
0x1f: {  	[tilespmem:s2], [sflag:$0x2] =	stream.linear.gather [hbm4b:s4+s2], $0x200, $0x38;
	[tilespmem:$0x10200] =	vst v63  }
0x20: {  	_ =	swait.ge [sflag:s3], $0x200  }
0x21: {  	[sflag:s3] =	ssyncset.done $0x0  }
0x22: {  	[sflag:s3] =	ssyncadd.s32 $0xFFFFFE00  }
0x23: {  	[tilespmem:s6], [sflag:$0x1] =	stream.indirect.gather [hbm4b:s5+s6], $0x80, s2, s6, $0xb8;
	[tilespmem:$0x10200] =	vst v63  }
0x24: {  	_ =	swait.ge [sflag:s7], $0x10000  }
0x25: {  	[sflag:s7] =	ssyncset.done $0x0  }
0x26: {  	[sflag:s7] =	ssyncadd.s32 $0xFFFF0000  }
0x27: {  	[hbm4b:s8+s2] =	stream.linear.scatter [tilespmem:s6], [sflag:$0x2], $0x10000, $0x38;
	[tilespmem:$0x10200] =	vst v63  }
0x28: {  	_ =	swait.ge [sflag:s3], $0x10000  }
0x29: {  	[sflag:s3] =	ssyncset.done $0x0  }
0x2a: {  	[sflag:s3] =	ssyncadd.s32 $0xFFFF0000  }
0x2b: {  	[tilespmem:s2], [sflag:$0x2] =	stream.linear.gather [hbm4b:s9+s2], $0x200, $0x38;
	[tilespmem:$0x10200] =	vst v63  }
0x2c: {  	_ =	swait.ge [sflag:s3], $0x200  }
0x2d: {  	[sflag:s3] =	ssyncset.done $0x0  }
0x2e: {  	[sflag:s3] =	ssyncadd.s32 $0xFFFFFE00  }
0x2f: {  	[tilespmem:s6], [sflag:$0x1] =	stream.indirect.gather [hbm4b:s5+s6], $0x80, s2, s6, $0xb8;
	[tilespmem:$0x10200] =	vst v63  }
0x30: {  	_ =	swait.ge [sflag:s7], $0x10000  }
.Ltmp1:
0x31: {  	[sflag:s7] =	ssyncset.done $0x0;
	(pc) =	sbr.rel @p0 .LBB2_1-.Ltmp1, $4  }
0x32: {  	[sflag:s7] =	ssyncadd.s32 $0xFFFF0000  }
0x33: {  	[hbm4b:s10+s2] =	stream.linear.scatter [tilespmem:s6], [sflag:$0x2], $0x10000, $0x38;
	[tilespmem:$0x10200] =	vst v63  }
0x34: {  	_ =	swait.ge [sflag:s3], $0x10000  }
0x35: {  	[sflag:s3] =	ssyncset.done $0x0  }
.LBB2_2:
0x36: {  	[sflag:s3] =	ssyncadd.s32 $0xFFFF0000  }
0x37: {  	_ =	sfence.sel $0x180000  }
0x38: {  	[bflag:$0x0] =	sbarrier.arrive $0xFFFF  }
0x39: {  	p0 =	sne.s32 s0, $0x0;
	_ =	strace $0x90000047  }
0x3a: {  	s0 =	sadd.s32 @!p0 $0x100000, s1;
	[bflag:$0x2] =	sbarrier.arrive $0xFFFF  }
0x3b: {  	[sflag:s0] =	ssyncadd.tile.s32 @!p0 $0x1;
	_ =	shalt  }
.Lfunc_end2:
_tile_overlayer_lowered:
.L_overlay_start_2:
0x3c: {  	(tag) =	ssettag $0x2  }
0x3d: {  	s0 =	rddreg [dreg:$0x0];
	s2 =	stileid.u32  }
0x3e: {  	s1 =	rddreg [dreg:$0x1];
	p0 =	sne.s32 s2, $0x0  }
0x3f: {  	s3 =	rddreg [dreg:$0x2];
	[bflag:$0x3] =	sbarrier.arrive $0xFFFF;
	s2 =	simm.s32 @!p0 $0x1C02  }
0x40: {  	[timem:s3], [sflag:s2] =	dma.local @!p0 [hbm:s0], s1  }
0x41: {  	s0 =	simm.s32 @!p0 $0x2  }
0x42: {  	_ =	swait.ge @!p0 [sflag:s0], s1  }
0x43: {  	s1 =	ssub.s32 @!p0 $0x0, s1;
	[sflag:s0] =	ssyncset.done @!p0 $0x0  }
0x44: {  	[sflag:s0] =	ssyncadd.s32 @!p0 s1  }
0x45: {  	[bflag:$0x3] =	sbarrier.arrive $0xFFFF  }
0x46: {  	_ =	shalt  }

</sc_bundles>
